<compile_context>
chip_gen: v7x
topology: tpu7x:2x2x1
jax: 0.10.2.dev20260603
libtpu: 0.0.44.dev20260713+nightly
codegen_flags: <defaults>
</compile_context>

<pallas_src>
import functools

import jax
import jax.numpy as jnp
from jax import lax
from jax.experimental import pallas as pl
from jax.experimental.pallas import tpu as pltpu
from jax.experimental.pallas import tpu_sc as plsc

_CHUNK = 32
_SCS_ROWS = 2048
_SCS_CHUNK = 512


def _tec_body(nc, rows_per_w, chunk, nchunks, embd_dim, dtype,
              emb_hbm, out_hbm, scs_buf):
    del scs_buf

    def inner(b0, b1, ls0, ls1, ss0, ss1):
        wid = lax.axis_index("s") * nc + lax.axis_index("c")
        base = wid * rows_per_w
        bufs = (b0, b1)
        lsems = (ls0, ls1)
        ssems = (ss0, ss1)

        def src(i):
            return emb_hbm.at[pl.ds(base + i * chunk, chunk)]

        def dst(i):
            return out_hbm.at[pl.ds(base + i * chunk, chunk)]

        loads = {}
        stores = {}
        loads[0] = pltpu.async_copy(src(0), bufs[0], lsems[0])
        if nchunks > 1:
            loads[1] = pltpu.async_copy(src(1), bufs[1], lsems[1])
        for i in range(nchunks):
            b = i % 2
            loads[i].wait()
            stores[i] = pltpu.async_copy(bufs[b], dst(i), ssems[b])
            if i + 2 < nchunks:
                stores[i].wait()
                loads[i + 2] = pltpu.async_copy(src(i + 2), bufs[b], lsems[b])
        for i in range(max(0, nchunks - 2), nchunks):
            stores[i].wait()

    pl.run_scoped(
        inner,
        pltpu.VMEM((chunk, embd_dim), dtype),
        pltpu.VMEM((chunk, embd_dim), dtype),
        pltpu.SemaphoreType.DMA,
        pltpu.SemaphoreType.DMA,
        pltpu.SemaphoreType.DMA,
        pltpu.SemaphoreType.DMA,
    )


def _scs_body(scs_base, rows_per_core, chunk, emb_hbm, out_hbm, scs_buf):
    cid = lax.axis_index("c")
    base = scs_base + cid * rows_per_core
    for j in range(rows_per_core // chunk):
        pltpu.sync_copy(emb_hbm.at[pl.ds(base + j * chunk, chunk)], scs_buf)
        pltpu.sync_copy(scs_buf, out_hbm.at[pl.ds(base + j * chunk, chunk)])


def kernel(inputs, embedding):
    seq_len, embd_dim = embedding.shape
    v_mesh = plsc.VectorSubcoreMesh(core_axis_name="c", subcore_axis_name="s")
    s_mesh = plsc.ScalarSubcoreMesh(axis_name="c", num_cores=v_mesh.num_cores)
    nc = v_mesh.num_cores
    nw = nc * v_mesh.num_subcores
    tec_rows = seq_len - _SCS_ROWS
    rows_per_w = tec_rows // nw
    nchunks = rows_per_w // _CHUNK

    tec_fn = functools.partial(_tec_body, nc, rows_per_w, _CHUNK, nchunks,
                               embd_dim, embedding.dtype)
    scs_fn = functools.partial(_scs_body, tec_rows, _SCS_ROWS // nc,
                               _SCS_CHUNK)
    copy = pl.kernel(
        body=[tec_fn, scs_fn],
        mesh=[v_mesh, s_mesh],
        out_type=jax.ShapeDtypeStruct((seq_len, embd_dim), embedding.dtype),
        scratch_types=[
            pltpu.MemorySpace.VMEM_SHARED((_SCS_CHUNK, embd_dim),
                                          embedding.dtype),
        ],
    )
    out = copy(embedding)
    return out[None]

# --- scband reference (transcript-rebuilt; emitter-appended) ---
"""Pipeline reference for scband-position-embedding-51170240364995 (READ-ONLY COPY).

The authoritative reference and input builder live on the scoring server;
editing this copy changes nothing except your own understanding.
"""

import jax, jax.numpy as jnp
import numpy as np

SEQ_LEN = 8192
EMBD_DIM = 768
BATCH = 4

def setup_inputs(seed: int = 0) -> dict:
    key = jax.random.key(seed)
    k1, k2 = jax.random.split(key)
    inputs = jax.random.normal(k1, (BATCH, SEQ_LEN, EMBD_DIM), dtype=jnp.float32)
    # learned position embedding table, built from input shape as in the keras layer
    embedding = jax.random.normal(k2, (SEQ_LEN, EMBD_DIM), dtype=jnp.float32) * 0.02
    return {"inputs": inputs, "embedding": embedding}

def reference(inputs, embedding):
    # call: pos_seq = range(seq_len) expanded to [1, seq_len]; embedding_lookup
    seq_len = embedding.shape[0]
    pos_seq = jnp.expand_dims(jnp.arange(seq_len, dtype=jnp.int32), 0)  # [1, seq_len]
    output = jnp.take(embedding, pos_seq, axis=0)  # [1, seq_len, embd_dim]
    return output

if __name__ == "__main__":
    import jax
    _d = setup_inputs()
    print(jax.jit(kernel)(*tuple(_d.values())))

</pallas_src>

<mosaic_0001>
#map = affine_map<(d0, d1) -> (0, 0)>
#map1 = affine_map<(d0) -> (0, 0)>
module attributes {stable_mosaic.version = 14 : i64} {
  func.func @_tec_body(%arg0: i32, %arg1: i32, %arg2: memref<8192x768xf32, #tpu.memory_space<hbm>>, %arg3: memref<8192x768xf32, #tpu.memory_space<hbm>>, %arg4: memref<512x768xf32, #tpu.memory_space<vmem_shared>>) attributes {dimension_semantics = [#tpu.dimension_semantics<core_parallel>, #tpu.dimension_semantics<subcore_parallel>], iteration_bounds = array<i64: 2, 16>, scalar_prefetch = 0 : i64, scratch_operands = 1 : i64, tpu.core_type = #tpu.core_type<sc_vector_subcore>, window_params = [{transform_indices = #map}, {transform_indices = #map}]} {
    "tpu.region"() ({
      %run_scoped3A = memref.alloca() : memref<32x768xf32, #tpu.memory_space<vmem>>
      %run_scoped3A_0 = memref.alloca() : memref<32x768xf32, #tpu.memory_space<vmem>>
      %run_scoped3A_1 = tpu.sem_alloc : memref<!tpu.dma_semaphore, #tpu.memory_space<semaphore_mem>>
      %run_scoped3A_2 = tpu.sem_alloc : memref<!tpu.dma_semaphore, #tpu.memory_space<semaphore_mem>>
      %run_scoped3A_3 = tpu.sem_alloc : memref<!tpu.dma_semaphore, #tpu.memory_space<semaphore_mem>>
      %run_scoped3A_4 = tpu.sem_alloc : memref<!tpu.dma_semaphore, #tpu.memory_space<semaphore_mem>>
      %mul3A = arith.constant 2 : i32
      %mul3A_5 = arith.muli %arg1, %mul3A : i32
      %add3A = arith.addi %mul3A_5, %arg0 : i32
      %mul3A_6 = arith.constant 192 : i32
      %mul3A_7 = arith.muli %add3A, %mul3A_6 : i32
      %add3A_8 = arith.constant 0 : i32
      %add3A_9 = arith.addi %mul3A_7, %add3A_8 : i32
      %dma_start3A = arith.constant 0 : i32
      %dma_start3A_10 = tpu.memref_slice %arg2[%add3A_9, %dma_start3A] : memref<8192x768xf32, #tpu.memory_space<hbm>> -> memref<32x768xf32, #tpu.memory_space<hbm>>
      %dma_start3A_11 = arith.constant 0 : i32
      %dma_start3A_12 = tpu.memref_slice %arg2[%add3A_9, %dma_start3A_11] : memref<8192x768xf32, #tpu.memory_space<hbm>> -> memref<32x768xf32, #tpu.memory_space<hbm>>
      tpu.enqueue_dma source(%dma_start3A_12 : memref<32x768xf32, #tpu.memory_space<hbm>>) target(%run_scoped3A : memref<32x768xf32, #tpu.memory_space<vmem>>) target_semaphore(%run_scoped3A_1 : memref<!tpu.dma_semaphore, #tpu.memory_space<semaphore_mem>>)
      %add3A_13 = arith.constant 32 : i32
      %add3A_14 = arith.addi %mul3A_7, %add3A_13 : i32
      %dma_start3A_15 = arith.constant 0 : i32
      %dma_start3A_16 = tpu.memref_slice %arg2[%add3A_14, %dma_start3A_15] : memref<8192x768xf32, #tpu.memory_space<hbm>> -> memref<32x768xf32, #tpu.memory_space<hbm>>
      %dma_start3A_17 = arith.constant 0 : i32
      %dma_start3A_18 = tpu.memref_slice %arg2[%add3A_14, %dma_start3A_17] : memref<8192x768xf32, #tpu.memory_space<hbm>> -> memref<32x768xf32, #tpu.memory_space<hbm>>
      tpu.enqueue_dma source(%dma_start3A_18 : memref<32x768xf32, #tpu.memory_space<hbm>>) target(%run_scoped3A_0 : memref<32x768xf32, #tpu.memory_space<vmem>>) target_semaphore(%run_scoped3A_2 : memref<!tpu.dma_semaphore, #tpu.memory_space<semaphore_mem>>)
      %dma_wait3A = arith.constant 0 : i32
      %dma_wait3A_19 = tpu.memref_slice %arg2[%add3A_9, %dma_wait3A] : memref<8192x768xf32, #tpu.memory_space<hbm>> -> memref<32x768xf32, #tpu.memory_space<hbm>>
      %dma_wait3A_20 = arith.constant 0 : i32
      %dma_wait3A_21 = tpu.memref_slice %arg2[%add3A_9, %dma_wait3A_20] : memref<8192x768xf32, #tpu.memory_space<hbm>> -> memref<32x768xf32, #tpu.memory_space<hbm>>
      tpu.wait_dma2 semaphore(%run_scoped3A_1 : memref<!tpu.dma_semaphore, #tpu.memory_space<semaphore_mem>>) src(%dma_wait3A_21 : memref<32x768xf32, #tpu.memory_space<hbm>>) dst(%run_scoped3A : memref<32x768xf32, #tpu.memory_space<vmem>>)
      %add3A_22 = arith.constant 0 : i32
      %add3A_23 = arith.addi %mul3A_7, %add3A_22 : i32
      %dma_start3A_24 = arith.constant 0 : i32
      %dma_start3A_25 = tpu.memref_slice %arg3[%add3A_23, %dma_start3A_24] : memref<8192x768xf32, #tpu.memory_space<hbm>> -> memref<32x768xf32, #tpu.memory_space<hbm>>
      %dma_start3A_26 = arith.constant 0 : i32
      %dma_start3A_27 = tpu.memref_slice %arg3[%add3A_23, %dma_start3A_26] : memref<8192x768xf32, #tpu.memory_space<hbm>> -> memref<32x768xf32, #tpu.memory_space<hbm>>
      tpu.enqueue_dma source(%run_scoped3A : memref<32x768xf32, #tpu.memory_space<vmem>>) target(%dma_start3A_27 : memref<32x768xf32, #tpu.memory_space<hbm>>) target_semaphore(%run_scoped3A_3 : memref<!tpu.dma_semaphore, #tpu.memory_space<semaphore_mem>>)
      %dma_wait3A_28 = arith.constant 0 : i32
      %dma_wait3A_29 = tpu.memref_slice %arg3[%add3A_23, %dma_wait3A_28] : memref<8192x768xf32, #tpu.memory_space<hbm>> -> memref<32x768xf32, #tpu.memory_space<hbm>>
      %dma_wait3A_30 = arith.constant 0 : i32
      %dma_wait3A_31 = tpu.memref_slice %arg3[%add3A_23, %dma_wait3A_30] : memref<8192x768xf32, #tpu.memory_space<hbm>> -> memref<32x768xf32, #tpu.memory_space<hbm>>
      tpu.wait_dma2 semaphore(%run_scoped3A_3 : memref<!tpu.dma_semaphore, #tpu.memory_space<semaphore_mem>>) src(%run_scoped3A : memref<32x768xf32, #tpu.memory_space<vmem>>) dst(%dma_wait3A_31 : memref<32x768xf32, #tpu.memory_space<hbm>>)
      %add3A_32 = arith.constant 64 : i32
      %add3A_33 = arith.addi %mul3A_7, %add3A_32 : i32
      %dma_start3A_34 = arith.constant 0 : i32
      %dma_start3A_35 = tpu.memref_slice %arg2[%add3A_33, %dma_start3A_34] : memref<8192x768xf32, #tpu.memory_space<hbm>> -> memref<32x768xf32, #tpu.memory_space<hbm>>
      %dma_start3A_36 = arith.constant 0 : i32
      %dma_start3A_37 = tpu.memref_slice %arg2[%add3A_33, %dma_start3A_36] : memref<8192x768xf32, #tpu.memory_space<hbm>> -> memref<32x768xf32, #tpu.memory_space<hbm>>
      tpu.enqueue_dma source(%dma_start3A_37 : memref<32x768xf32, #tpu.memory_space<hbm>>) target(%run_scoped3A : memref<32x768xf32, #tpu.memory_space<vmem>>) target_semaphore(%run_scoped3A_1 : memref<!tpu.dma_semaphore, #tpu.memory_space<semaphore_mem>>)
      %dma_wait3A_38 = arith.constant 0 : i32
      %dma_wait3A_39 = tpu.memref_slice %arg2[%add3A_14, %dma_wait3A_38] : memref<8192x768xf32, #tpu.memory_space<hbm>> -> memref<32x768xf32, #tpu.memory_space<hbm>>
      %dma_wait3A_40 = arith.constant 0 : i32
      %dma_wait3A_41 = tpu.memref_slice %arg2[%add3A_14, %dma_wait3A_40] : memref<8192x768xf32, #tpu.memory_space<hbm>> -> memref<32x768xf32, #tpu.memory_space<hbm>>
      tpu.wait_dma2 semaphore(%run_scoped3A_2 : memref<!tpu.dma_semaphore, #tpu.memory_space<semaphore_mem>>) src(%dma_wait3A_41 : memref<32x768xf32, #tpu.memory_space<hbm>>) dst(%run_scoped3A_0 : memref<32x768xf32, #tpu.memory_space<vmem>>)
      %add3A_42 = arith.constant 32 : i32
      %add3A_43 = arith.addi %mul3A_7, %add3A_42 : i32
      %dma_start3A_44 = arith.constant 0 : i32
      %dma_start3A_45 = tpu.memref_slice %arg3[%add3A_43, %dma_start3A_44] : memref<8192x768xf32, #tpu.memory_space<hbm>> -> memref<32x768xf32, #tpu.memory_space<hbm>>
      %dma_start3A_46 = arith.constant 0 : i32
      %dma_start3A_47 = tpu.memref_slice %arg3[%add3A_43, %dma_start3A_46] : memref<8192x768xf32, #tpu.memory_space<hbm>> -> memref<32x768xf32, #tpu.memory_space<hbm>>
      tpu.enqueue_dma source(%run_scoped3A_0 : memref<32x768xf32, #tpu.memory_space<vmem>>) target(%dma_start3A_47 : memref<32x768xf32, #tpu.memory_space<hbm>>) target_semaphore(%run_scoped3A_4 : memref<!tpu.dma_semaphore, #tpu.memory_space<semaphore_mem>>)
      %dma_wait3A_48 = arith.constant 0 : i32
      %dma_wait3A_49 = tpu.memref_slice %arg3[%add3A_43, %dma_wait3A_48] : memref<8192x768xf32, #tpu.memory_space<hbm>> -> memref<32x768xf32, #tpu.memory_space<hbm>>
      %dma_wait3A_50 = arith.constant 0 : i32
      %dma_wait3A_51 = tpu.memref_slice %arg3[%add3A_43, %dma_wait3A_50] : memref<8192x768xf32, #tpu.memory_space<hbm>> -> memref<32x768xf32, #tpu.memory_space<hbm>>
      tpu.wait_dma2 semaphore(%run_scoped3A_4 : memref<!tpu.dma_semaphore, #tpu.memory_space<semaphore_mem>>) src(%run_scoped3A_0 : memref<32x768xf32, #tpu.memory_space<vmem>>) dst(%dma_wait3A_51 : memref<32x768xf32, #tpu.memory_space<hbm>>)
      %add3A_52 = arith.constant 96 : i32
      %add3A_53 = arith.addi %mul3A_7, %add3A_52 : i32
      %dma_start3A_54 = arith.constant 0 : i32
      %dma_start3A_55 = tpu.memref_slice %arg2[%add3A_53, %dma_start3A_54] : memref<8192x768xf32, #tpu.memory_space<hbm>> -> memref<32x768xf32, #tpu.memory_space<hbm>>
      %dma_start3A_56 = arith.constant 0 : i32
      %dma_start3A_57 = tpu.memref_slice %arg2[%add3A_53, %dma_start3A_56] : memref<8192x768xf32, #tpu.memory_space<hbm>> -> memref<32x768xf32, #tpu.memory_space<hbm>>
      tpu.enqueue_dma source(%dma_start3A_57 : memref<32x768xf32, #tpu.memory_space<hbm>>) target(%run_scoped3A_0 : memref<32x768xf32, #tpu.memory_space<vmem>>) target_semaphore(%run_scoped3A_2 : memref<!tpu.dma_semaphore, #tpu.memory_space<semaphore_mem>>)
      %dma_wait3A_58 = arith.constant 0 : i32
      %dma_wait3A_59 = tpu.memref_slice %arg2[%add3A_33, %dma_wait3A_58] : memref<8192x768xf32, #tpu.memory_space<hbm>> -> memref<32x768xf32, #tpu.memory_space<hbm>>
      %dma_wait3A_60 = arith.constant 0 : i32
      %dma_wait3A_61 = tpu.memref_slice %arg2[%add3A_33, %dma_wait3A_60] : memref<8192x768xf32, #tpu.memory_space<hbm>> -> memref<32x768xf32, #tpu.memory_space<hbm>>
      tpu.wait_dma2 semaphore(%run_scoped3A_1 : memref<!tpu.dma_semaphore, #tpu.memory_space<semaphore_mem>>) src(%dma_wait3A_61 : memref<32x768xf32, #tpu.memory_space<hbm>>) dst(%run_scoped3A : memref<32x768xf32, #tpu.memory_space<vmem>>)
      %add3A_62 = arith.constant 64 : i32
      %add3A_63 = arith.addi %mul3A_7, %add3A_62 : i32
      %dma_start3A_64 = arith.constant 0 : i32
      %dma_start3A_65 = tpu.memref_slice %arg3[%add3A_63, %dma_start3A_64] : memref<8192x768xf32, #tpu.memory_space<hbm>> -> memref<32x768xf32, #tpu.memory_space<hbm>>
      %dma_start3A_66 = arith.constant 0 : i32
      %dma_start3A_67 = tpu.memref_slice %arg3[%add3A_63, %dma_start3A_66] : memref<8192x768xf32, #tpu.memory_space<hbm>> -> memref<32x768xf32, #tpu.memory_space<hbm>>
      tpu.enqueue_dma source(%run_scoped3A : memref<32x768xf32, #tpu.memory_space<vmem>>) target(%dma_start3A_67 : memref<32x768xf32, #tpu.memory_space<hbm>>) target_semaphore(%run_scoped3A_3 : memref<!tpu.dma_semaphore, #tpu.memory_space<semaphore_mem>>)
      %dma_wait3A_68 = arith.constant 0 : i32
      %dma_wait3A_69 = tpu.memref_slice %arg3[%add3A_63, %dma_wait3A_68] : memref<8192x768xf32, #tpu.memory_space<hbm>> -> memref<32x768xf32, #tpu.memory_space<hbm>>
      %dma_wait3A_70 = arith.constant 0 : i32
      %dma_wait3A_71 = tpu.memref_slice %arg3[%add3A_63, %dma_wait3A_70] : memref<8192x768xf32, #tpu.memory_space<hbm>> -> memref<32x768xf32, #tpu.memory_space<hbm>>
      tpu.wait_dma2 semaphore(%run_scoped3A_3 : memref<!tpu.dma_semaphore, #tpu.memory_space<semaphore_mem>>) src(%run_scoped3A : memref<32x768xf32, #tpu.memory_space<vmem>>) dst(%dma_wait3A_71 : memref<32x768xf32, #tpu.memory_space<hbm>>)
      %add3A_72 = arith.constant 128 : i32
      %add3A_73 = arith.addi %mul3A_7, %add3A_72 : i32
      %dma_start3A_74 = arith.constant 0 : i32
      %dma_start3A_75 = tpu.memref_slice %arg2[%add3A_73, %dma_start3A_74] : memref<8192x768xf32, #tpu.memory_space<hbm>> -> memref<32x768xf32, #tpu.memory_space<hbm>>
      %dma_start3A_76 = arith.constant 0 : i32
      %dma_start3A_77 = tpu.memref_slice %arg2[%add3A_73, %dma_start3A_76] : memref<8192x768xf32, #tpu.memory_space<hbm>> -> memref<32x768xf32, #tpu.memory_space<hbm>>
      tpu.enqueue_dma source(%dma_start3A_77 : memref<32x768xf32, #tpu.memory_space<hbm>>) target(%run_scoped3A : memref<32x768xf32, #tpu.memory_space<vmem>>) target_semaphore(%run_scoped3A_1 : memref<!tpu.dma_semaphore, #tpu.memory_space<semaphore_mem>>)
      %dma_wait3A_78 = arith.constant 0 : i32
      %dma_wait3A_79 = tpu.memref_slice %arg2[%add3A_53, %dma_wait3A_78] : memref<8192x768xf32, #tpu.memory_space<hbm>> -> memref<32x768xf32, #tpu.memory_space<hbm>>
      %dma_wait3A_80 = arith.constant 0 : i32
      %dma_wait3A_81 = tpu.memref_slice %arg2[%add3A_53, %dma_wait3A_80] : memref<8192x768xf32, #tpu.memory_space<hbm>> -> memref<32x768xf32, #tpu.memory_space<hbm>>
      tpu.wait_dma2 semaphore(%run_scoped3A_2 : memref<!tpu.dma_semaphore, #tpu.memory_space<semaphore_mem>>) src(%dma_wait3A_81 : memref<32x768xf32, #tpu.memory_space<hbm>>) dst(%run_scoped3A_0 : memref<32x768xf32, #tpu.memory_space<vmem>>)
      %add3A_82 = arith.constant 96 : i32
      %add3A_83 = arith.addi %mul3A_7, %add3A_82 : i32
      %dma_start3A_84 = arith.constant 0 : i32
      %dma_start3A_85 = tpu.memref_slice %arg3[%add3A_83, %dma_start3A_84] : memref<8192x768xf32, #tpu.memory_space<hbm>> -> memref<32x768xf32, #tpu.memory_space<hbm>>
      %dma_start3A_86 = arith.constant 0 : i32
      %dma_start3A_87 = tpu.memref_slice %arg3[%add3A_83, %dma_start3A_86] : memref<8192x768xf32, #tpu.memory_space<hbm>> -> memref<32x768xf32, #tpu.memory_space<hbm>>
      tpu.enqueue_dma source(%run_scoped3A_0 : memref<32x768xf32, #tpu.memory_space<vmem>>) target(%dma_start3A_87 : memref<32x768xf32, #tpu.memory_space<hbm>>) target_semaphore(%run_scoped3A_4 : memref<!tpu.dma_semaphore, #tpu.memory_space<semaphore_mem>>)
      %dma_wait3A_88 = arith.constant 0 : i32
      %dma_wait3A_89 = tpu.memref_slice %arg3[%add3A_83, %dma_wait3A_88] : memref<8192x768xf32, #tpu.memory_space<hbm>> -> memref<32x768xf32, #tpu.memory_space<hbm>>
      %dma_wait3A_90 = arith.constant 0 : i32
      %dma_wait3A_91 = tpu.memref_slice %arg3[%add3A_83, %dma_wait3A_90] : memref<8192x768xf32, #tpu.memory_space<hbm>> -> memref<32x768xf32, #tpu.memory_space<hbm>>
      tpu.wait_dma2 semaphore(%run_scoped3A_4 : memref<!tpu.dma_semaphore, #tpu.memory_space<semaphore_mem>>) src(%run_scoped3A_0 : memref<32x768xf32, #tpu.memory_space<vmem>>) dst(%dma_wait3A_91 : memref<32x768xf32, #tpu.memory_space<hbm>>)
      %add3A_92 = arith.constant 160 : i32
      %add3A_93 = arith.addi %mul3A_7, %add3A_92 : i32
      %dma_start3A_94 = arith.constant 0 : i32
      %dma_start3A_95 = tpu.memref_slice %arg2[%add3A_93, %dma_start3A_94] : memref<8192x768xf32, #tpu.memory_space<hbm>> -> memref<32x768xf32, #tpu.memory_space<hbm>>
      %dma_start3A_96 = arith.constant 0 : i32
      %dma_start3A_97 = tpu.memref_slice %arg2[%add3A_93, %dma_start3A_96] : memref<8192x768xf32, #tpu.memory_space<hbm>> -> memref<32x768xf32, #tpu.memory_space<hbm>>
      tpu.enqueue_dma source(%dma_start3A_97 : memref<32x768xf32, #tpu.memory_space<hbm>>) target(%run_scoped3A_0 : memref<32x768xf32, #tpu.memory_space<vmem>>) target_semaphore(%run_scoped3A_2 : memref<!tpu.dma_semaphore, #tpu.memory_space<semaphore_mem>>)
      %dma_wait3A_98 = arith.constant 0 : i32
      %dma_wait3A_99 = tpu.memref_slice %arg2[%add3A_73, %dma_wait3A_98] : memref<8192x768xf32, #tpu.memory_space<hbm>> -> memref<32x768xf32, #tpu.memory_space<hbm>>
      %dma_wait3A_100 = arith.constant 0 : i32
      %dma_wait3A_101 = tpu.memref_slice %arg2[%add3A_73, %dma_wait3A_100] : memref<8192x768xf32, #tpu.memory_space<hbm>> -> memref<32x768xf32, #tpu.memory_space<hbm>>
      tpu.wait_dma2 semaphore(%run_scoped3A_1 : memref<!tpu.dma_semaphore, #tpu.memory_space<semaphore_mem>>) src(%dma_wait3A_101 : memref<32x768xf32, #tpu.memory_space<hbm>>) dst(%run_scoped3A : memref<32x768xf32, #tpu.memory_space<vmem>>)
      %add3A_102 = arith.constant 128 : i32
      %add3A_103 = arith.addi %mul3A_7, %add3A_102 : i32
      %dma_start3A_104 = arith.constant 0 : i32
      %dma_start3A_105 = tpu.memref_slice %arg3[%add3A_103, %dma_start3A_104] : memref<8192x768xf32, #tpu.memory_space<hbm>> -> memref<32x768xf32, #tpu.memory_space<hbm>>
      %dma_start3A_106 = arith.constant 0 : i32
      %dma_start3A_107 = tpu.memref_slice %arg3[%add3A_103, %dma_start3A_106] : memref<8192x768xf32, #tpu.memory_space<hbm>> -> memref<32x768xf32, #tpu.memory_space<hbm>>
      tpu.enqueue_dma source(%run_scoped3A : memref<32x768xf32, #tpu.memory_space<vmem>>) target(%dma_start3A_107 : memref<32x768xf32, #tpu.memory_space<hbm>>) target_semaphore(%run_scoped3A_3 : memref<!tpu.dma_semaphore, #tpu.memory_space<semaphore_mem>>)
      %dma_wait3A_108 = arith.constant 0 : i32
      %dma_wait3A_109 = tpu.memref_slice %arg2[%add3A_93, %dma_wait3A_108] : memref<8192x768xf32, #tpu.memory_space<hbm>> -> memref<32x768xf32, #tpu.memory_space<hbm>>
      %dma_wait3A_110 = arith.constant 0 : i32
      %dma_wait3A_111 = tpu.memref_slice %arg2[%add3A_93, %dma_wait3A_110] : memref<8192x768xf32, #tpu.memory_space<hbm>> -> memref<32x768xf32, #tpu.memory_space<hbm>>
      tpu.wait_dma2 semaphore(%run_scoped3A_2 : memref<!tpu.dma_semaphore, #tpu.memory_space<semaphore_mem>>) src(%dma_wait3A_111 : memref<32x768xf32, #tpu.memory_space<hbm>>) dst(%run_scoped3A_0 : memref<32x768xf32, #tpu.memory_space<vmem>>)
      %add3A_112 = arith.constant 160 : i32
      %add3A_113 = arith.addi %mul3A_7, %add3A_112 : i32
      %dma_start3A_114 = arith.constant 0 : i32
      %dma_start3A_115 = tpu.memref_slice %arg3[%add3A_113, %dma_start3A_114] : memref<8192x768xf32, #tpu.memory_space<hbm>> -> memref<32x768xf32, #tpu.memory_space<hbm>>
      %dma_start3A_116 = arith.constant 0 : i32
      %dma_start3A_117 = tpu.memref_slice %arg3[%add3A_113, %dma_start3A_116] : memref<8192x768xf32, #tpu.memory_space<hbm>> -> memref<32x768xf32, #tpu.memory_space<hbm>>
      tpu.enqueue_dma source(%run_scoped3A_0 : memref<32x768xf32, #tpu.memory_space<vmem>>) target(%dma_start3A_117 : memref<32x768xf32, #tpu.memory_space<hbm>>) target_semaphore(%run_scoped3A_4 : memref<!tpu.dma_semaphore, #tpu.memory_space<semaphore_mem>>)
      %dma_wait3A_118 = arith.constant 0 : i32
      %dma_wait3A_119 = tpu.memref_slice %arg3[%add3A_103, %dma_wait3A_118] : memref<8192x768xf32, #tpu.memory_space<hbm>> -> memref<32x768xf32, #tpu.memory_space<hbm>>
      %dma_wait3A_120 = arith.constant 0 : i32
      %dma_wait3A_121 = tpu.memref_slice %arg3[%add3A_103, %dma_wait3A_120] : memref<8192x768xf32, #tpu.memory_space<hbm>> -> memref<32x768xf32, #tpu.memory_space<hbm>>
      tpu.wait_dma2 semaphore(%run_scoped3A_3 : memref<!tpu.dma_semaphore, #tpu.memory_space<semaphore_mem>>) src(%run_scoped3A : memref<32x768xf32, #tpu.memory_space<vmem>>) dst(%dma_wait3A_121 : memref<32x768xf32, #tpu.memory_space<hbm>>)
      %dma_wait3A_122 = arith.constant 0 : i32
      %dma_wait3A_123 = tpu.memref_slice %arg3[%add3A_113, %dma_wait3A_122] : memref<8192x768xf32, #tpu.memory_space<hbm>> -> memref<32x768xf32, #tpu.memory_space<hbm>>
      %dma_wait3A_124 = arith.constant 0 : i32
      %dma_wait3A_125 = tpu.memref_slice %arg3[%add3A_113, %dma_wait3A_124] : memref<8192x768xf32, #tpu.memory_space<hbm>> -> memref<32x768xf32, #tpu.memory_space<hbm>>
      tpu.wait_dma2 semaphore(%run_scoped3A_4 : memref<!tpu.dma_semaphore, #tpu.memory_space<semaphore_mem>>) src(%run_scoped3A_0 : memref<32x768xf32, #tpu.memory_space<vmem>>) dst(%dma_wait3A_125 : memref<32x768xf32, #tpu.memory_space<hbm>>)
      tpu.yield
    }) : () -> ()
    return
  }
  func.func @_scs_body(%arg0: i32, %arg1: memref<8192x768xf32, #tpu.memory_space<hbm>>, %arg2: memref<8192x768xf32, #tpu.memory_space<hbm>>, %arg3: memref<512x768xf32, #tpu.memory_space<vmem_shared>>) attributes {dimension_semantics = [#tpu.dimension_semantics<core_parallel>], iteration_bounds = array<i64: 2>, scalar_prefetch = 0 : i64, scratch_operands = 1 : i64, tpu.core_type = #tpu.core_type<sc_scalar_subcore>, window_params = [{transform_indices = #map1}, {transform_indices = #map1}]} {
    %mul3A = arith.constant 1024 : i32
    %mul3A_0 = arith.muli %arg0, %mul3A : i32
    %add3A = arith.constant 6144 : i32
    %add3A_1 = arith.addi %add3A, %mul3A_0 : i32
    %add3A_2 = arith.constant 0 : i32
    %add3A_3 = arith.addi %add3A_1, %add3A_2 : i32
    "tpu.region"() ({
      %run_scoped3A = tpu.sem_alloc : memref<!tpu.dma_semaphore, #tpu.memory_space<semaphore_mem>>
      %dma_start3A = arith.constant 0 : i32
      %dma_start3A_10 = tpu.memref_slice %arg1[%add3A_3, %dma_start3A] : memref<8192x768xf32, #tpu.memory_space<hbm>> -> memref<512x768xf32, #tpu.memory_space<hbm>>
      tpu.enqueue_dma source(%dma_start3A_10 : memref<512x768xf32, #tpu.memory_space<hbm>>) target(%arg3 : memref<512x768xf32, #tpu.memory_space<vmem_shared>>) target_semaphore(%run_scoped3A : memref<!tpu.dma_semaphore, #tpu.memory_space<semaphore_mem>>)
      %dma_wait3A = arith.constant 0 : i32
      %dma_wait3A_11 = tpu.memref_slice %arg1[%add3A_3, %dma_wait3A] : memref<8192x768xf32, #tpu.memory_space<hbm>> -> memref<512x768xf32, #tpu.memory_space<hbm>>
      tpu.wait_dma2 semaphore(%run_scoped3A : memref<!tpu.dma_semaphore, #tpu.memory_space<semaphore_mem>>) src(%dma_wait3A_11 : memref<512x768xf32, #tpu.memory_space<hbm>>) dst(%arg3 : memref<512x768xf32, #tpu.memory_space<vmem_shared>>)
      tpu.yield
    }) : () -> ()
    %add3A_4 = arith.constant 0 : i32
    %add3A_5 = arith.addi %add3A_1, %add3A_4 : i32
    "tpu.region"() ({
      %run_scoped3A = tpu.sem_alloc : memref<!tpu.dma_semaphore, #tpu.memory_space<semaphore_mem>>
      %dma_start3A = arith.constant 0 : i32
      %dma_start3A_10 = tpu.memref_slice %arg2[%add3A_5, %dma_start3A] : memref<8192x768xf32, #tpu.memory_space<hbm>> -> memref<512x768xf32, #tpu.memory_space<hbm>>
      tpu.enqueue_dma source(%arg3 : memref<512x768xf32, #tpu.memory_space<vmem_shared>>) target(%dma_start3A_10 : memref<512x768xf32, #tpu.memory_space<hbm>>) target_semaphore(%run_scoped3A : memref<!tpu.dma_semaphore, #tpu.memory_space<semaphore_mem>>)
      %dma_wait3A = arith.constant 0 : i32
      %dma_wait3A_11 = tpu.memref_slice %arg2[%add3A_5, %dma_wait3A] : memref<8192x768xf32, #tpu.memory_space<hbm>> -> memref<512x768xf32, #tpu.memory_space<hbm>>
      tpu.wait_dma2 semaphore(%run_scoped3A : memref<!tpu.dma_semaphore, #tpu.memory_space<semaphore_mem>>) src(%arg3 : memref<512x768xf32, #tpu.memory_space<vmem_shared>>) dst(%dma_wait3A_11 : memref<512x768xf32, #tpu.memory_space<hbm>>)
      tpu.yield
    }) : () -> ()
    %add3A_6 = arith.constant 512 : i32
    %add3A_7 = arith.addi %add3A_1, %add3A_6 : i32
    "tpu.region"() ({
      %run_scoped3A = tpu.sem_alloc : memref<!tpu.dma_semaphore, #tpu.memory_space<semaphore_mem>>
      %dma_start3A = arith.constant 0 : i32
      %dma_start3A_10 = tpu.memref_slice %arg1[%add3A_7, %dma_start3A] : memref<8192x768xf32, #tpu.memory_space<hbm>> -> memref<512x768xf32, #tpu.memory_space<hbm>>
      tpu.enqueue_dma source(%dma_start3A_10 : memref<512x768xf32, #tpu.memory_space<hbm>>) target(%arg3 : memref<512x768xf32, #tpu.memory_space<vmem_shared>>) target_semaphore(%run_scoped3A : memref<!tpu.dma_semaphore, #tpu.memory_space<semaphore_mem>>)
      %dma_wait3A = arith.constant 0 : i32
      %dma_wait3A_11 = tpu.memref_slice %arg1[%add3A_7, %dma_wait3A] : memref<8192x768xf32, #tpu.memory_space<hbm>> -> memref<512x768xf32, #tpu.memory_space<hbm>>
      tpu.wait_dma2 semaphore(%run_scoped3A : memref<!tpu.dma_semaphore, #tpu.memory_space<semaphore_mem>>) src(%dma_wait3A_11 : memref<512x768xf32, #tpu.memory_space<hbm>>) dst(%arg3 : memref<512x768xf32, #tpu.memory_space<vmem_shared>>)
      tpu.yield
    }) : () -> ()
    %add3A_8 = arith.constant 512 : i32
    %add3A_9 = arith.addi %add3A_1, %add3A_8 : i32
    "tpu.region"() ({
      %run_scoped3A = tpu.sem_alloc : memref<!tpu.dma_semaphore, #tpu.memory_space<semaphore_mem>>
      %dma_start3A = arith.constant 0 : i32
      %dma_start3A_10 = tpu.memref_slice %arg2[%add3A_9, %dma_start3A] : memref<8192x768xf32, #tpu.memory_space<hbm>> -> memref<512x768xf32, #tpu.memory_space<hbm>>
      tpu.enqueue_dma source(%arg3 : memref<512x768xf32, #tpu.memory_space<vmem_shared>>) target(%dma_start3A_10 : memref<512x768xf32, #tpu.memory_space<hbm>>) target_semaphore(%run_scoped3A : memref<!tpu.dma_semaphore, #tpu.memory_space<semaphore_mem>>)
      %dma_wait3A = arith.constant 0 : i32
      %dma_wait3A_11 = tpu.memref_slice %arg2[%add3A_9, %dma_wait3A] : memref<8192x768xf32, #tpu.memory_space<hbm>> -> memref<512x768xf32, #tpu.memory_space<hbm>>
      tpu.wait_dma2 semaphore(%run_scoped3A : memref<!tpu.dma_semaphore, #tpu.memory_space<semaphore_mem>>) src(%arg3 : memref<512x768xf32, #tpu.memory_space<vmem_shared>>) dst(%dma_wait3A_11 : memref<512x768xf32, #tpu.memory_space<hbm>>)
      tpu.yield
    }) : () -> ()
    return
  }
}

</mosaic_0001>

<sc_bundles>
// kernel: kernel.3.cloned.1.call-start
scs
__scs_entry_jumppad:
0x0: {  	(pc) =	sbr.rel $0x88, $3  }
0x1: {  	(tag) =	ssettag $0x0;
	lr =	simm.s32 $0x1  }
0x2: {  	[smem:$0x3FA0] =	sst lr;
	_ =	strace $0xD0000000  }
0x3: {  	_ = 	snop  }
0x4: {  	_ = 	snop  }
0x5: {  	_ = 	snop  }
0x6: {  	_ = 	snop  }
0x7: {  	_ = 	snop  }
__scs_overlays_trampoline_lowered:
0x8: {  	[smem:$0x3FAF] =	sst s0  }
0x9: {  	[smem:$0x3FB0] =	sst s1  }
0xa: {  	[smem:$0x3FB1] =	sst s2  }
0xb: {  	[smem:$0x3FB2] =	sst s3  }
0xc: {  	[smem:$0x3FB3] =	sst s4  }
0xd: {  	[smem:$0x3FB4] =	sst s5  }
0xe: {  	[smem:$0x3FB5] =	sst s6  }
0xf: {  	[smem:$0x3FB6] =	sst s7  }
0x10: {  	[smem:$0x3FB7] =	sst s8  }
0x11: {  	[smem:$0x3FB8] =	sst s9;
	s0 =	simm.s32 @!p0 $0x0  }
0x12: {  	s1 =	sld [smem:$0x3F9E];
	s0 =	simm.s32 @p0 $0x1  }
0x13: {  	[smem:$0x3FB9] =	sst s0;
	s0 =	simm.s32 @!p1 $0x0  }
0x14: {  	s2 =	sld [smem:$0x3F9D];
	s0 =	simm.s32 @p1 $0x1  }
0x15: {  	[smem:$0x3FBA] =	sst s0;
	s0 =	simm.s32 @!p2 $0x0  }
0x16: {  	s3 =	sld [smem:$0x3FDB];
	s0 =	simm.s32 @p2 $0x1  }
0x17: {  	s4 =	simm.s32 $0x1BF5;
	[smem:$0x3FBC] =	sst s0  }
0x18: {  	s0 =	sld [smem:$0x3F9F];
	_ =	swait.ge [sflag:s4], $0x0  }
0x19: {  	s7 =	sld [smem:$0x3FA0]  }
0x1a: {  	s8 =	sadd.s32 $0xFFFFE003, lr  }
0x1b: {  	s9 =	sadd.s32 $0xFFFFFEF7, lr;
	s5 =	simm.s32 $0xFFFFFFFF;
	p2 =	slt.u32 s8, $0xFFFFF086  }
0x1c: {  	p1 =	slt.u32 s9, $0xF7A;
	s5 =	simm.s32 @!p2 $0x0  }
0x1d: {  	s5 =	simm.s32 @p1 $0x1;
	p0 =	seq.s32 s7, s2  }
0x1e: {  	s7 =	smul.u32 @!p0 $0xF7A, s2;
	p2 =	seq.s32 @!p0 s5, $0x0  }
0x1f: {  	s9 =	smul.u32 $0xF7A, s1;
	s8 =	simm.s32 @!p0 $0x1BF5;
	p2 =	por !p2, p0  }
0x20: {  	[sflag:s8] =	ssyncset.s32 @!p0 $0xFFFFF086;
	s6 =	sadd.s32 @!p0 s3, s7;
	s7 =	simm.s32 @!p0 $0x108  }
0x21: {  	s3 =	sadd.s32 s3, s9;
	s6 =	sadd.s32 @!p0 $0x88, s6;
	s7 =	simm.s32 @p2 $0x1082  }
0x22: {  	[simem:s7], [sflag:s8] =	dma.local @!p0 [hbm:s6], $0xF7A  }
0x23: {  	s9 =	sor.u32 $0xD0000000, s2;
	s6 =	simm.s32 $0x108;
	_ =	swait.ge @!p0 [sflag:s8], $0x0  }
0x24: {  	s3 =	sadd.s32 $0x88, s3;
	s6 =	simm.s32 @!p1 $0x1082;
	[sflag:s4] =	ssyncset.s32 $0xFFFFF086  }
0x25: {  	[simem:s6], [sflag:s4] =	dma.local [hbm:s3], $0xF7A  }
0x26: {  	[smem:$0x3FA0] =	sst s1;
	(tag) =	ssettag s2;
	_ =	strace s9  }
0x27: {  	s1 =	sld [smem:$0x3FB0]  }
0x28: {  	s2 =	sld [smem:$0x3FB1]  }
0x29: {  	s4 =	sld [smem:$0x3FB3]  }
0x2a: {  	p0 =	seq.s32 s5, $0x0;
	s5 =	sld [smem:$0x3FB4]  }
0x2b: {  	s6 =	sld [smem:$0x3FB5]  }
0x2c: {  	s7 =	sld [smem:$0x3FB6]  }
0x2d: {  	s3 =	simm.s32 $0x108;
	s8 =	sld [smem:$0x3FB7]  }
0x2e: {  	s3 =	simm.s32 @!p0 $0x1082;
	s9 =	sld [smem:$0x3FB8]  }
0x2f: {  	lr =	sadd.s32 s0, s3;
	s0 =	sld [smem:$0x3FAF]  }
0x30: {  	s3 =	sld [smem:$0x3FB2]  }
0x31: {  	[smem:$0x3FBB] =	sst s10  }
0x32: {  	s10 =	sld [smem:$0x3FB9];
	_ =	sdelay $0x3  }
0x33: {  	p0 =	seq.s32 s10, $0x1;
	s10 =	sld [smem:$0x3FBB];
	_ =	sdelay $0x3  }
0x34: {  	[smem:$0x3FBB] =	sst s10  }
0x35: {  	s10 =	sld [smem:$0x3FBA];
	_ =	sdelay $0x3  }
0x36: {  	p1 =	seq.s32 s10, $0x1;
	s10 =	sld [smem:$0x3FBB];
	_ =	sdelay $0x3  }
0x37: {  	[smem:$0x3FBB] =	sst s10  }
0x38: {  	s10 =	sld [smem:$0x3FBC]  }
0x39: {  	_ = 	snop;
	(pc) =	sbr.ind lr, $3  }
0x3a: {  	_ = 	snop  }
0x3b: {  	_ = 	snop  }
0x3c: {  	p2 =	seq.s32 s10, $0x1;
	s10 =	sld [smem:$0x3FBB]  }
0x3d: {  	_ =	shalt  }
0x3e: {  	_ =	shalt  }
0x3f: {  	_ =	shalt  }
0x40: {  	_ =	shalt  }
0x41: {  	_ =	shalt  }
0x42: {  	_ =	shalt  }
0x43: {  	_ =	shalt  }
0x44: {  	_ =	shalt  }
0x45: {  	_ =	shalt  }
0x46: {  	_ =	shalt  }
0x47: {  	_ =	shalt  }
0x48: {  	_ =	shalt  }
0x49: {  	_ =	shalt  }
0x4a: {  	_ =	shalt  }
0x4b: {  	_ =	shalt  }
0x4c: {  	_ =	shalt  }
0x4d: {  	_ =	shalt  }
0x4e: {  	_ =	shalt  }
0x4f: {  	_ =	shalt  }
0x50: {  	_ =	shalt  }
0x51: {  	_ =	shalt  }
0x52: {  	_ =	shalt  }
0x53: {  	_ =	shalt  }
0x54: {  	_ =	shalt  }
0x55: {  	_ =	shalt  }
0x56: {  	_ =	shalt  }
0x57: {  	_ =	shalt  }
0x58: {  	_ =	shalt  }
0x59: {  	_ =	shalt  }
0x5a: {  	_ =	shalt  }
0x5b: {  	_ =	shalt  }
0x5c: {  	_ =	shalt  }
0x5d: {  	_ =	shalt  }
0x5e: {  	_ =	shalt  }
0x5f: {  	_ =	shalt  }
0x60: {  	_ =	shalt  }
0x61: {  	_ =	shalt  }
0x62: {  	_ =	shalt  }
0x63: {  	_ =	shalt  }
0x64: {  	_ =	shalt  }
0x65: {  	_ =	shalt  }
0x66: {  	_ =	shalt  }
0x67: {  	_ =	shalt  }
0x68: {  	_ =	shalt  }
0x69: {  	_ =	shalt  }
0x6a: {  	_ =	shalt  }
0x6b: {  	_ =	shalt  }
0x6c: {  	_ =	shalt  }
0x6d: {  	_ =	shalt  }
0x6e: {  	_ =	shalt  }
0x6f: {  	_ =	shalt  }
0x70: {  	_ =	shalt  }
0x71: {  	_ =	shalt  }
0x72: {  	_ =	shalt  }
0x73: {  	_ =	shalt  }
0x74: {  	_ =	shalt  }
0x75: {  	_ =	shalt  }
0x76: {  	_ =	shalt  }
0x77: {  	_ =	shalt  }
0x78: {  	_ =	shalt  }
0x79: {  	_ =	shalt  }
0x7a: {  	_ =	shalt  }
0x7b: {  	_ =	shalt  }
0x7c: {  	_ =	shalt  }
0x7d: {  	_ =	shalt  }
0x7e: {  	_ =	shalt  }
0x7f: {  	_ =	shalt  }
0x80: {  	_ =	shalt  }
0x81: {  	_ =	shalt  }
0x82: {  	_ =	shalt  }
0x83: {  	_ =	shalt  }
0x84: {  	_ =	shalt  }
0x85: {  	_ =	shalt  }
0x86: {  	_ =	shalt  }
0x87: {  	_ =	shalt  }
.Lfunc_end0:
.L_simem_size_0:
called_computation_lowered:
.L_overlay_start_0:
0x88: {  	s1 =	sld [smem:$0x3FD9]  }
0x89: {  	s3 =	sld [smem:$0x3FFE];
	_ =	sdelay $0x1  }
0x8a: {  	s2 =	srdreg.scid  }
0x8b: {  	s0 =	sand.u32 $0x1, s2  }
0x8c: {  	s15 =	sshll.u32 s0, $0xA;
	s1 =	sadd.s32 s3, s1  }
0x8d: {  	s1 =	sadd.s32 s1, s15  }
0x8e: {  	s17 =	simm.s32 $0x0;
	[smem:$0x3FC7] =	sst s1  }
0x8f: {  	[smem:$0xF] =	sst s17  }
0x90: {  	s4 =	sld [smem:$0x3FC9]  }
0x91: {  	s16 =	sld [smem:$0x3FD0];
	(tm) =	ssettm $0x1  }
0x92: {  	s5 =	sld [smem:$0x3FFB];
	_ =	sdelay $0x3  }
0x93: {  	_ =	strace s5  }
0x94: {  	s5 =	sld [smem:$0x3FFC];
	_ =	sdelay $0x3  }
0x95: {  	_ =	strace s5  }
0x96: {  	s5 =	sld [smem:$0x3FFD];
	_ =	sdelay $0x3  }
0x97: {  	_ =	strace s5  }
0x98: {  	_ =	strace $0x8FFFFFFF  }
0x99: {  	s18 =	sld [smem:$0x3FDB];
	_ =	sdelay $0x2  }
0x9a: {  	s6 =	simm.s32 $_scs_section_size;
	s7 =	simm.s32 $_tile_overlayer_lowered  }
0x9b: {  	s19 =	simm.s32 $_size__tile_overlayer_lowered;
	s7 =	sshll.u32 s7, $0x1;
	s5 =	sadd.s32 s6, s18  }
0x9c: {  	s8 =	simm.s32 $0x1BFF;
	s6 =	sshll.u32 s19, $0x1;
	s7 =	sadd.s32 s7, s5  }
0x9d: {  	[timem:s17], [sflag:s8] =	dma.local [hbm:s7], s6  }
0x9e: {  	_ =	swait.ge [sflag:s8], s6  }
0x9f: {  	s6 =	ssub.s32 $0x0, s6;
	[sflag:s8] =	ssyncset.done $0x0  }
0xa0: {  	[sflag:s8] =	ssyncadd.s32 s6;
	_ =	sdelay $0x1  }
0xa1: {  	s20 =	simm.s32 $0x1B8B  }
0xa2: {  	_ =	swait.ge [sflag:s20], $0x1  }
0xa3: {  	[sflag:s20] =	ssyncset.done $0x0  }
0xa4: {  	s21 =	simm.s32 $0x1B8E;
	[sflag:s20] =	ssyncadd.s32 $0xFFFFFFFF  }
0xa5: {  	s22 =	simm.s32 $execute0_lowered;
	[smem:$0x3FD2] =	sst s21  }
0xa6: {  	s6 =	sshll.u32 s22, $0x1;
	_ =	strace $0x80000046;
	[dreg:$0x1] =	wrdreg $0xFFFFFFFF  }
0xa7: {  	s23 =	simm.s32 $_size_execute0_lowered;
	s5 =	sadd.s32 s5, s6;
	[dreg:$0x0] =	wrdreg $0x0  }
0xa8: {  	s6 =	sshll.u32 s23, $0x1;
	[dreg:$0x2] =	wrdreg s5  }
0xa9: {  	[dreg:$0x3] =	wrdreg s6  }
0xaa: {  	[dreg:$0x4] =	wrdreg $0xC0  }
0xab: {  	_ =	task [dreg:s17], $0x5FFFF  }
0xac: {  	[dreg:$0x1] =	wrdreg $0xFFFFFFFF  }
0xad: {  	s24 =	smul.u32 $0xC0000, s0;
	[dreg:$0x0] =	wrdreg $0x60  }
0xae: {  	[dreg:$0x2] =	wrdreg s4  }
0xaf: {  	s5 =	sshrl.u32 s24, $0x3;
	[dreg:$0x3] =	wrdreg s16  }
0xb0: {  	s25 =	sadd.s32 $0x90000, s5;
	[dreg:$0x4] =	wrdreg $0x9  }
0xb1: {  	s28 =	simm.s32 $0xA;
	s26 =	sadd.s32 s25, s4;
	_ =	task.clear_ibuf [dreg:s17], $0x5FFFF  }
0xb2: {  	[spmem:s17], [sflag:s28] =	dma.local [hbm:s26], $0xC000  }
0xb3: {  	_ =	swait.ge [sflag:s28], $0xC000  }
0xb4: {  	[sflag:s28] =	ssyncset.done $0x0  }
0xb5: {  	[sflag:s28] =	ssyncadd.s32 $0xFFFF4000  }
0xb6: {  	s6 =	sadd.s32 s25, s16  }
0xb7: {  	[hbm:s6], [sflag:s28] =	dma.local [spmem:s17], $0xC000  }
0xb8: {  	_ =	swait.ge [sflag:s28], $0xC000  }
0xb9: {  	[sflag:s28] =	ssyncset.done $0x0  }
0xba: {  	s5 =	sadd.s32 $0x9C000, s5;
	[sflag:s28] =	ssyncadd.s32 $0xFFFF4000  }
0xbb: {  	s4 =	sadd.s32 s5, s4  }
0xbc: {  	[spmem:s17], [sflag:s28] =	dma.local [hbm:s4], $0xC000  }
0xbd: {  	_ =	swait.ge [sflag:s28], $0xC000  }
0xbe: {  	[sflag:s28] =	ssyncset.done $0x0  }
0xbf: {  	[sflag:s28] =	ssyncadd.s32 $0xFFFF4000  }
0xc0: {  	s3 =	sadd.s32 s5, s16  }
0xc1: {  	[hbm:s3], [sflag:s28] =	dma.local [spmem:s17], $0xC000  }
0xc2: {  	_ =	swait.ge [sflag:s28], $0xC000  }
0xc3: {  	[sflag:s28] =	ssyncset.done $0x0  }
0xc4: {  	[sflag:s28] =	ssyncadd.s32 $0xFFFF4000  }
0xc5: {  	_ =	strace $0x90000046  }
0xc6: {  	s29 =	simm.s32 $0x9;
	_ =	strace $0x80000048  }
0xc7: {  	_ =	swait.ge [sflag:s29], $0x1  }
0xc8: {  	[sflag:s29] =	ssyncadd.s32 $0xFFFFFFFF  }
0xc9: {  	_ =	strace $0x90000048  }
0xca: {  	_ =	sfence  }
0xcb: {  	s30 =	sld [smem:$0x0];
	_ =	sdelay $0x2  }
0xcc: {  	s31 =	sshll.u32 s2, $0xD;
	s2 =	sshrl.u32 s2, $0x2  }
0xcd: {  	s4 =	sand.u32 $0x4000, s31;
	s2 =	sadd.s32 s2, s30  }
0xce: {  	s0 =	sor.u32 s4, s0;
	s2 =	sshll.u32 s2, $0x11  }
0xcf: {  	s0 =	sor.u32 s2, s0  }
0xd0: {  	s0 =	sadd.s32 $0x8F2B, s0  }
0xd1: {  	[sflag:s0] =	ssyncadd.remote.s32 $0x1  }
0xd2: {  	_ =	sfence.sel $0xFFFF  }
0xd3: {  	[dreg:$0x0] =	wrdreg $0xFFFFFFFF;
	(pc) =	sbr.abs _section_cstart, $3  }
0xd4: {  	[dreg:$0x1] =	wrdreg $0xFFFFFFFF  }
0xd5: {  	_ =	task.clear_ibuf [dreg:s17], $0x2FFFF;
	_ =	strace $0x9FFFFFFF  }
0xd6: {  	(tm) =	ssettm $0x7FFFFFFF  }
0xd7: {  	_ =	shalt  }
tec
execute0_lowered:
.L_overlay_start_1:
0x0: {  	(tag) =	ssettag $0x1  }
0x1: {  	s1 =	srdreg.scid;
	s0 =	stileid.u32  }
0x2: {  	s20 =	sand.u32 $0x1, s1;
	s29 =	sshll.u32 s0, $0x1  }
0x3: {  	s1 =	sor.u32 s20, s29  }
0x4: {  	s1 =	smul.u32 $0xC0, s1;
	_ =	sdelay $0x1  }
0x5: {  	s18 =	rddreg [dreg:$0x0];
	s3 =	sshrl.u32 s1, $0x3  }
0x6: {  	s21 =	rddreg [dreg:$0x1];
	s2 =	simm.s32 $0x0;
	s4 =	smul.u32 $0x1800, s3  }
0x7: {  	[smem:$0x7FF] =	sst s2;
	s19 =	smul.u32 $0x300, s3  }
0x8: {  	s1 =	rddreg [dreg:$0x2];
	_ =	strace $0x80000047;
	s4 =	sshrl.u32 s4, $0x3  }
0x9: {  	s3 =	sadd.s32 s18, s19;
	s12 =	sadd.s32 $0xC00, s4;
	s4 =	simm.s32 $0x6000  }
0xa: {  	[tilespmem:s4], [sflag:$0x1] =	stream.linear.gather [hbm4b:s3+s2], $0x6000, $0x38;
	[tilespmem:$0x12000] =	vst v63  }
0xb: {  	s6 =	simm.s32 $0xC000;
	s7 =	simm.s32 $0x1;
	s5 =	sadd.s32 s18, s12  }
0xc: {  	[tilespmem:s6], [sflag:$0x2] =	stream.linear.gather [hbm4b:s5+s2], $0x6000, $0x38;
	[tilespmem:$0x12000] =	vst v63  }
0xd: {  	_ =	swait.ge [sflag:s7], $0x6000  }
0xe: {  	[sflag:s7] =	ssyncset.done $0x0  }
0xf: {  	s9 =	simm.s32 $0x3;
	s8 =	sadd.s32 s21, s19;
	[sflag:s7] =	ssyncadd.s32 $0xFFFFA000  }
0x10: {  	[hbm4b:s8+s2] =	stream.linear.scatter [tilespmem:s4], [sflag:$0x3], $0x6000, $0x38;
	[tilespmem:$0x12000] =	vst v63  }
0x11: {  	_ =	swait.ge [sflag:s9], $0x6000  }
0x12: {  	s15 =	sadd.s32 $0x1800, s19;
	[sflag:s9] =	ssyncset.done $0x0  }
0x13: {  	s11 =	simm.s32 $0x2;
	s10 =	sadd.s32 s18, s15;
	[sflag:s9] =	ssyncadd.s32 $0xFFFFA000  }
0x14: {  	[tilespmem:s4], [sflag:$0x1] =	stream.linear.gather [hbm4b:s10+s2], $0x6000, $0x38;
	[tilespmem:$0x12000] =	vst v63  }
0x15: {  	_ =	swait.ge [sflag:s11], $0x6000  }
0x16: {  	[sflag:s11] =	ssyncset.done $0x0  }
0x17: {  	s13 =	sadd.s32 s21, s12;
	s12 =	simm.s32 $0x4;
	[sflag:s11] =	ssyncadd.s32 $0xFFFFA000  }
0x18: {  	[hbm4b:s13+s2] =	stream.linear.scatter [tilespmem:s6], [sflag:$0x4], $0x6000, $0x38;
	[tilespmem:$0x12000] =	vst v63  }
0x19: {  	_ =	swait.ge [sflag:s12], $0x6000  }
0x1a: {  	s17 =	sadd.s32 $0x2400, s19;
	[sflag:s12] =	ssyncset.done $0x0  }
0x1b: {  	s14 =	sadd.s32 s18, s17;
	[sflag:s12] =	ssyncadd.s32 $0xFFFFA000  }
0x1c: {  	[tilespmem:s6], [sflag:$0x2] =	stream.linear.gather [hbm4b:s14+s2], $0x6000, $0x38;
	[tilespmem:$0x12000] =	vst v63  }
0x1d: {  	_ =	swait.ge [sflag:s7], $0x6000  }
0x1e: {  	[sflag:s7] =	ssyncset.done $0x0  }
0x1f: {  	s15 =	sadd.s32 s21, s15;
	[sflag:s7] =	ssyncadd.s32 $0xFFFFA000  }
0x20: {  	[hbm4b:s15+s2] =	stream.linear.scatter [tilespmem:s4], [sflag:$0x3], $0x6000, $0x38;
	[tilespmem:$0x12000] =	vst v63  }
0x21: {  	_ =	swait.ge [sflag:s9], $0x6000  }
0x22: {  	s22 =	sadd.s32 $0x3000, s19;
	[sflag:s9] =	ssyncset.done $0x0  }
0x23: {  	s16 =	sadd.s32 s18, s22;
	[sflag:s9] =	ssyncadd.s32 $0xFFFFA000  }
0x24: {  	[tilespmem:s4], [sflag:$0x1] =	stream.linear.gather [hbm4b:s16+s2], $0x6000, $0x38;
	[tilespmem:$0x12000] =	vst v63  }
0x25: {  	_ =	swait.ge [sflag:s11], $0x6000  }
0x26: {  	[sflag:s11] =	ssyncset.done $0x0  }
0x27: {  	s17 =	sadd.s32 s21, s17;
	[sflag:s11] =	ssyncadd.s32 $0xFFFFA000  }
0x28: {  	[hbm4b:s17+s2] =	stream.linear.scatter [tilespmem:s6], [sflag:$0x4], $0x6000, $0x38;
	[tilespmem:$0x12000] =	vst v63  }
0x29: {  	_ =	swait.ge [sflag:s12], $0x6000  }
0x2a: {  	s23 =	sadd.s32 $0x3C00, s19;
	[sflag:s12] =	ssyncset.done $0x0  }
0x2b: {  	s18 =	sadd.s32 s18, s23;
	[sflag:s12] =	ssyncadd.s32 $0xFFFFA000  }
0x2c: {  	[tilespmem:s6], [sflag:$0x2] =	stream.linear.gather [hbm4b:s18+s2], $0x6000, $0x38;
	[tilespmem:$0x12000] =	vst v63  }
0x2d: {  	_ =	swait.ge [sflag:s7], $0x6000  }
0x2e: {  	s30 =	ssub.s32 $0x2, s20;
	[sflag:s7] =	ssyncset.done $0x0  }
0x2f: {  	s31 =	sshrl.u32 s30, $0x1;
	s19 =	sadd.s32 s21, s22;
	[sflag:s7] =	ssyncadd.s32 $0xFFFFA000  }
0x30: {  	[hbm4b:s19+s2] =	stream.linear.scatter [tilespmem:s4], [sflag:$0x3], $0x6000, $0x38;
	[tilespmem:$0x12000] =	vst v63  }
0x31: {  	s20 =	sadd.s32 s21, s23;
	s21 =	ssub.s32 s30, s31;
	_ =	swait.ge [sflag:s11], $0x6000  }
0x32: {  	s21 =	smax.u32 s21, $0x1;
	[sflag:s11] =	ssyncset.done $0x0  }
0x33: {  	p0 =	sne.s32 s21, $0x1;
	[sflag:s11] =	ssyncadd.s32 $0xFFFFA000  }
0x34: {  	[hbm4b:s20+s2] =	stream.linear.scatter [tilespmem:s6], [sflag:$0x4], $0x6000, $0x38;
	[tilespmem:$0x12000] =	vst v63  }
.Ltmp0:
0x35: {  	_ =	swait.ge [sflag:s9], $0x6000;
	(pc) =	sbr.rel @!p0 .LBB2_2-.Ltmp0, $4  }
0x36: {  	[sflag:s9] =	ssyncset.done $0x0  }
0x37: {  	[sflag:s9] =	ssyncadd.s32 $0xFFFFA000  }
0x38: {  	_ =	swait.ge [sflag:s12], $0x6000  }
0x39: {  	s21 =	sadd.s32 $0xFFFFFFFF, s21;
	[sflag:s12] =	ssyncset.done $0x0  }
.LBB2_1:
0x3a: {  	p0 =	sne.s32 s21, $0x1;
	s21 =	sadd.s32 $0xFFFFFFFF, s21;
	[sflag:s12] =	ssyncadd.s32 $0xFFFFA000  }
0x3b: {  	[tilespmem:s4], [sflag:$0x1] =	stream.linear.gather [hbm4b:s3+s2], $0x6000, $0x38;
	[tilespmem:$0x12000] =	vst v63  }
0x3c: {  	_ = 	snop  }
0x3d: {  	[tilespmem:s6], [sflag:$0x2] =	stream.linear.gather [hbm4b:s5+s2], $0x6000, $0x38;
	[tilespmem:$0x12000] =	vst v63  }
0x3e: {  	_ =	swait.ge [sflag:s7], $0x6000  }
0x3f: {  	[sflag:s7] =	ssyncset.done $0x0  }
0x40: {  	[sflag:s7] =	ssyncadd.s32 $0xFFFFA000  }
0x41: {  	[hbm4b:s8+s2] =	stream.linear.scatter [tilespmem:s4], [sflag:$0x3], $0x6000, $0x38;
	[tilespmem:$0x12000] =	vst v63  }
0x42: {  	_ =	swait.ge [sflag:s9], $0x6000  }
0x43: {  	[sflag:s9] =	ssyncset.done $0x0  }
0x44: {  	[sflag:s9] =	ssyncadd.s32 $0xFFFFA000  }
0x45: {  	[tilespmem:s4], [sflag:$0x1] =	stream.linear.gather [hbm4b:s10+s2], $0x6000, $0x38;
	[tilespmem:$0x12000] =	vst v63  }
0x46: {  	_ =	swait.ge [sflag:s11], $0x6000  }
0x47: {  	[sflag:s11] =	ssyncset.done $0x0  }
0x48: {  	[sflag:s11] =	ssyncadd.s32 $0xFFFFA000  }
0x49: {  	[hbm4b:s13+s2] =	stream.linear.scatter [tilespmem:s6], [sflag:$0x4], $0x6000, $0x38;
	[tilespmem:$0x12000] =	vst v63  }
0x4a: {  	_ =	swait.ge [sflag:s12], $0x6000  }
0x4b: {  	[sflag:s12] =	ssyncset.done $0x0  }
0x4c: {  	[sflag:s12] =	ssyncadd.s32 $0xFFFFA000  }
0x4d: {  	[tilespmem:s6], [sflag:$0x2] =	stream.linear.gather [hbm4b:s14+s2], $0x6000, $0x38;
	[tilespmem:$0x12000] =	vst v63  }
0x4e: {  	_ =	swait.ge [sflag:s7], $0x6000  }
0x4f: {  	[sflag:s7] =	ssyncset.done $0x0  }
0x50: {  	[sflag:s7] =	ssyncadd.s32 $0xFFFFA000  }
0x51: {  	[hbm4b:s15+s2] =	stream.linear.scatter [tilespmem:s4], [sflag:$0x3], $0x6000, $0x38;
	[tilespmem:$0x12000] =	vst v63  }
0x52: {  	_ =	swait.ge [sflag:s9], $0x6000  }
0x53: {  	[sflag:s9] =	ssyncset.done $0x0  }
0x54: {  	[sflag:s9] =	ssyncadd.s32 $0xFFFFA000  }
0x55: {  	[tilespmem:s4], [sflag:$0x1] =	stream.linear.gather [hbm4b:s16+s2], $0x6000, $0x38;
	[tilespmem:$0x12000] =	vst v63  }
0x56: {  	_ =	swait.ge [sflag:s11], $0x6000  }
0x57: {  	[sflag:s11] =	ssyncset.done $0x0  }
0x58: {  	[sflag:s11] =	ssyncadd.s32 $0xFFFFA000  }
0x59: {  	[hbm4b:s17+s2] =	stream.linear.scatter [tilespmem:s6], [sflag:$0x4], $0x6000, $0x38;
	[tilespmem:$0x12000] =	vst v63  }
0x5a: {  	_ =	swait.ge [sflag:s12], $0x6000  }
0x5b: {  	[sflag:s12] =	ssyncset.done $0x0  }
0x5c: {  	[sflag:s12] =	ssyncadd.s32 $0xFFFFA000  }
0x5d: {  	[tilespmem:s6], [sflag:$0x2] =	stream.linear.gather [hbm4b:s18+s2], $0x6000, $0x38;
	[tilespmem:$0x12000] =	vst v63  }
0x5e: {  	_ =	swait.ge [sflag:s7], $0x6000  }
0x5f: {  	[sflag:s7] =	ssyncset.done $0x0  }
0x60: {  	[sflag:s7] =	ssyncadd.s32 $0xFFFFA000  }
0x61: {  	[hbm4b:s19+s2] =	stream.linear.scatter [tilespmem:s4], [sflag:$0x3], $0x6000, $0x38;
	[tilespmem:$0x12000] =	vst v63  }
0x62: {  	_ =	swait.ge [sflag:s11], $0x6000  }
0x63: {  	[sflag:s11] =	ssyncset.done $0x0  }
0x64: {  	[sflag:s11] =	ssyncadd.s32 $0xFFFFA000  }
0x65: {  	[hbm4b:s20+s2] =	stream.linear.scatter [tilespmem:s6], [sflag:$0x4], $0x6000, $0x38;
	[tilespmem:$0x12000] =	vst v63  }
.Ltmp1:
0x66: {  	_ =	swait.ge [sflag:s9], $0x6000;
	(pc) =	sbr.rel @p0 .LBB2_1-.Ltmp1, $4  }
0x67: {  	[sflag:s9] =	ssyncset.done $0x0  }
0x68: {  	[sflag:s9] =	ssyncadd.s32 $0xFFFFA000  }
0x69: {  	_ =	swait.ge [sflag:s12], $0x6000  }
0x6a: {  	[sflag:s12] =	ssyncset.done $0x0  }
.LBB2_2:
0x6b: {  	[sflag:s12] =	ssyncadd.s32 $0xFFFFA000  }
0x6c: {  	_ =	sfence.sel $0x180000  }
0x6d: {  	[bflag:$0x0] =	sbarrier.arrive $0xFFFF  }
0x6e: {  	p0 =	sne.s32 s0, $0x0;
	_ =	strace $0x90000047  }
0x6f: {  	s0 =	sadd.s32 @!p0 $0x100000, s1;
	[bflag:$0x2] =	sbarrier.arrive $0xFFFF  }
0x70: {  	[sflag:s0] =	ssyncadd.tile.s32 @!p0 $0x1;
	_ =	shalt  }
.Lfunc_end2:
_tile_overlayer_lowered:
.L_overlay_start_2:
0x71: {  	(tag) =	ssettag $0x2  }
0x72: {  	s0 =	rddreg [dreg:$0x0];
	s2 =	stileid.u32  }
0x73: {  	s1 =	rddreg [dreg:$0x1];
	p0 =	sne.s32 s2, $0x0  }
0x74: {  	s3 =	rddreg [dreg:$0x2];
	[bflag:$0x3] =	sbarrier.arrive $0xFFFF;
	s2 =	simm.s32 @!p0 $0x1C01  }
0x75: {  	[timem:s3], [sflag:s2] =	dma.local @!p0 [hbm:s0], s1  }
0x76: {  	s0 =	simm.s32 @!p0 $0x1  }
0x77: {  	_ =	swait.ge @!p0 [sflag:s0], s1  }
0x78: {  	s1 =	ssub.s32 @!p0 $0x0, s1;
	[sflag:s0] =	ssyncset.done @!p0 $0x0  }
0x79: {  	[sflag:s0] =	ssyncadd.s32 @!p0 s1  }
0x7a: {  	[bflag:$0x3] =	sbarrier.arrive $0xFFFF  }
0x7b: {  	_ =	shalt  }

</sc_bundles>
